<compile_context>
chip_gen: v7x
topology: tpu7x:2x2x1
jax: 0.10.2.dev20260603
libtpu: 0.0.44.dev20260713+nightly
codegen_flags: <defaults>
</compile_context>

<pallas_src>
import functools

import jax
import jax.numpy as jnp
from jax import lax
from jax.experimental import pallas as pl
from jax.experimental.pallas import tpu as pltpu
from jax.experimental.pallas import tpu_sc as plsc

N = 10000
D = 128
H = 128
E = 320000

NUM_CORES = 2
NUM_SUBCORES = 16
EDGES_PER_TILE = E // NUM_SUBCORES
CHUNK = 80
NUM_CHUNKS = EDGES_PER_TILE // CHUNK
N_PAD = 10240
ROWS_PER_TILE = N_PAD // NUM_SUBCORES

BN = 1000


def _support_body(x_ref, w1_ref, b1_ref, wg_ref, out_ref):
    h = jnp.dot(x_ref[...], w1_ref[...], preferred_element_type=jnp.float32)
    h = jnp.maximum(h + b1_ref[...], 0.0)
    out_ref[...] = jnp.dot(h, wg_ref[...], preferred_element_type=jnp.float32)


def _support(x, W1, b1, Wg):
    return pl.pallas_call(
        _support_body,
        grid=(N // BN,),
        in_specs=[
            pl.BlockSpec((BN, D), lambda i: (i, 0)),
            pl.BlockSpec((D, H), lambda i: (0, 0)),
            pl.BlockSpec((1, H), lambda i: (0, 0)),
            pl.BlockSpec((H, H), lambda i: (0, 0)),
        ],
        out_specs=pl.BlockSpec((BN, H), lambda i: (i, 0)),
        out_shape=jax.ShapeDtypeStruct((N, H), jnp.float32),
    )(x, W1, b1.reshape(1, H), Wg)


def _edge_body(support, srcs, dsts, zero, agg, accum, sidx, didx, rows):
    cid = lax.axis_index("c")
    tid = lax.axis_index("s")
    row0 = tid * ROWS_PER_TILE
    pltpu.sync_copy(zero.at[pl.ds(row0, ROWS_PER_TILE)],
                    accum.at[pl.ds(row0, ROWS_PER_TILE)])
    plsc.subcore_barrier()

    e0 = cid * E + tid * EDGES_PER_TILE

    def step(i, carry):
        off = e0 + i * CHUNK
        pltpu.sync_copy(srcs.at[pl.ds(off, CHUNK)], sidx)
        pltpu.sync_copy(dsts.at[pl.ds(off, CHUNK)], didx)
        pltpu.sync_copy(support.at[sidx], rows)
        pltpu.sync_copy(rows, accum.at[didx], add=True)
        return carry

    lax.fori_loop(0, NUM_CHUNKS, step, 0)
    plsc.subcore_barrier()
    pltpu.sync_copy(accum.at[pl.ds(row0, ROWS_PER_TILE)],
                    agg.at[cid, pl.ds(row0, ROWS_PER_TILE)])


@functools.partial(
    pl.kernel,
    out_type=jax.ShapeDtypeStruct((NUM_CORES, N_PAD, H), jnp.float32),
    mesh=plsc.VectorSubcoreMesh(
        core_axis_name="c", subcore_axis_name="s",
        num_cores=NUM_CORES, num_subcores=NUM_SUBCORES),
    scratch_types=[
        pltpu.VMEM_SHARED((N_PAD, H), jnp.float32),
        pltpu.VMEM((CHUNK,), jnp.int32),
        pltpu.VMEM((CHUNK,), jnp.int32),
        pltpu.VMEM((CHUNK, H), jnp.float32),
    ],
)
def _edge_agg(support, srcs, dsts, zero, agg, accum, sidx, didx, rows):
    _edge_body(support, srcs, dsts, zero, agg, accum, sidx, didx, rows)


def _q_body(a0_ref, a1_ref, bg_ref, wo_ref, bo_ref, out_ref):
    ea = jnp.maximum(a0_ref[...] + bg_ref[...], 0.0)
    eb = jnp.maximum(a1_ref[...] + bg_ref[...], 0.0)
    emb = 0.5 * (ea + eb)
    out_ref[...] = (
        jnp.dot(emb, wo_ref[...], preferred_element_type=jnp.float32)
        + bo_ref[...])


def _q_out(agg0, agg1, bg, Wo, bo):
    return pl.pallas_call(
        _q_body,
        grid=(N // BN,),
        in_specs=[
            pl.BlockSpec((BN, H), lambda i: (i, 0)),
            pl.BlockSpec((BN, H), lambda i: (i, 0)),
            pl.BlockSpec((1, H), lambda i: (0, 0)),
            pl.BlockSpec((H, 1), lambda i: (0, 0)),
            pl.BlockSpec((1, 1), lambda i: (0, 0)),
        ],
        out_specs=pl.BlockSpec((BN, 1), lambda i: (i, 0)),
        out_shape=jax.ShapeDtypeStruct((N, 1), jnp.float32),
    )(agg0, agg1, bg.reshape(1, H), Wo, bo.reshape(1, 1))


def kernel(x, mp0, mp1, W1, b1, Wg, bg, Wo, bo):
    support = _support(x, W1, b1, Wg)
    srcs = jnp.concatenate([mp0[0], mp1[0]]).astype(jnp.int32)
    dsts = jnp.concatenate([mp0[1], mp1[1]]).astype(jnp.int32)
    zero = jnp.zeros((N_PAD, H), jnp.float32)
    agg = _edge_agg(support, srcs, dsts, zero)
    return _q_out(agg[0, :N], agg[1, :N], bg, Wo, bo)

# --- scband reference (transcript-rebuilt; emitter-appended) ---
"""Pipeline reference for scband-qnet-29403346108713 (READ-ONLY COPY).

The authoritative reference and input builder live on the scoring server;
editing this copy changes nothing except your own understanding.
"""

import jax, jax.numpy as jnp
import numpy as np

N = 10000
D = 128
H = 128
E = 320000

def setup_inputs(seed: int = 0) -> dict:
    key = jax.random.key(seed)
    ks = jax.random.split(key, 10)
    x = jax.random.normal(ks[0], (N, D), dtype=jnp.float32)
    mp0 = jax.random.randint(ks[1], (2, E), 0, N, dtype=jnp.int64)
    mp1 = jax.random.randint(ks[2], (2, E), 0, N, dtype=jnp.int64)
    # layer1: Linear(state_dim -> hidden)
    W1 = jax.random.normal(ks[3], (D, H), dtype=jnp.float32) * (1.0 / np.sqrt(D))
    b1 = jnp.zeros((H,), dtype=jnp.float32)
    # layer2: GCN(hidden -> hidden): support = h @ Wg; out = relu(spmm(adj, support) + bg)
    Wg = jax.random.normal(ks[4], (H, H), dtype=jnp.float32) * (1.0 / np.sqrt(H))
    bg = jnp.zeros((H,), dtype=jnp.float32)
    # out_layer: Linear(hidden -> 1)
    Wo = jax.random.normal(ks[5], (H, 1), dtype=jnp.float32) * (1.0 / np.sqrt(H))
    bo = jnp.zeros((1,), dtype=jnp.float32)
    return {"x": x, "mp0": mp0, "mp1": mp1, "W1": W1, "b1": b1, "Wg": Wg, "bg": bg, "Wo": Wo, "bo": bo}

def _gcn(h, edge_index, Wg, bg):
    support = h @ Wg  # [N, H]
    src = edge_index[0]
    dst = edge_index[1]
    msg = jnp.take(support, src, axis=0)  # gather [E, H]
    agg = jax.ops.segment_sum(msg, dst, num_segments=N)  # scatter-add spmm
    return jax.nn.relu(agg + bg)

def reference(x, mp0, mp1, W1, b1, Wg, bg, Wo, bo):
    h = jax.nn.relu(x @ W1 + b1)
    embeds = []
    for mp in (mp0, mp1):
        e = _gcn(h, mp, Wg, bg)
        embeds.append(e[..., None])
    embeds = jnp.concatenate(embeds, axis=-1)
    embeds = jnp.mean(embeds, axis=-1)
    q_value = embeds @ Wo + bo
    return q_value

if __name__ == "__main__":
    import jax
    _d = setup_inputs()
    print(jax.jit(kernel)(*tuple(_d.values())))

</pallas_src>

<mosaic_0001>
#map = affine_map<(d0, d1) -> (0, 0)>
#map1 = affine_map<(d0, d1) -> (0)>
#map2 = affine_map<(d0, d1) -> (0, 0, 0)>
module attributes {stable_mosaic.version = 14 : i64} {
  func.func @_edge_agg(%arg0: i32, %arg1: i32, %arg2: memref<10000x128xf32, #tpu.memory_space<hbm>>, %arg3: memref<640000xi32, #tpu.memory_space<hbm>>, %arg4: memref<640000xi32, #tpu.memory_space<hbm>>, %arg5: memref<10240x128xf32, #tpu.memory_space<hbm>>, %arg6: memref<2x10240x128xf32, #tpu.memory_space<hbm>>, %arg7: memref<10240x128xf32, #tpu.memory_space<vmem_shared>>, %arg8: memref<80xi32, #tpu.memory_space<vmem>>, %arg9: memref<80xi32, #tpu.memory_space<vmem>>, %arg10: memref<80x128xf32, #tpu.memory_space<vmem>>) attributes {dimension_semantics = [#tpu.dimension_semantics<core_parallel>, #tpu.dimension_semantics<subcore_parallel>], iteration_bounds = array<i64: 2, 16>, scalar_prefetch = 0 : i64, scratch_operands = 4 : i64, tpu.core_type = #tpu.core_type<sc_vector_subcore>, window_params = [{transform_indices = #map}, {transform_indices = #map1}, {transform_indices = #map1}, {transform_indices = #map}, {transform_indices = #map2}]} {
    %mul3A = arith.constant 640 : i32
    %mul3A_0 = arith.muli %arg1, %mul3A : i32
    "tpu.region"() ({
      %run_scoped3A = tpu.sem_alloc : memref<!tpu.dma_semaphore, #tpu.memory_space<semaphore_mem>>
      %dma_start3A = arith.constant 0 : i32
      %dma_start3A_11 = tpu.memref_slice %arg7[%mul3A_0, %dma_start3A] : memref<10240x128xf32, #tpu.memory_space<vmem_shared>> -> memref<640x128xf32, #tpu.memory_space<vmem_shared>>
      %dma_start3A_12 = arith.constant 0 : i32
      %dma_start3A_13 = tpu.memref_slice %arg5[%mul3A_0, %dma_start3A_12] : memref<10240x128xf32, #tpu.memory_space<hbm>> -> memref<640x128xf32, #tpu.memory_space<hbm>>
      tpu.enqueue_dma source(%dma_start3A_13 : memref<640x128xf32, #tpu.memory_space<hbm>>) target(%dma_start3A_11 : memref<640x128xf32, #tpu.memory_space<vmem_shared>>) target_semaphore(%run_scoped3A : memref<!tpu.dma_semaphore, #tpu.memory_space<semaphore_mem>>)
      %dma_wait3A = arith.constant 0 : i32
      %dma_wait3A_14 = tpu.memref_slice %arg7[%mul3A_0, %dma_wait3A] : memref<10240x128xf32, #tpu.memory_space<vmem_shared>> -> memref<640x128xf32, #tpu.memory_space<vmem_shared>>
      %dma_wait3A_15 = arith.constant 0 : i32
      %dma_wait3A_16 = tpu.memref_slice %arg5[%mul3A_0, %dma_wait3A_15] : memref<10240x128xf32, #tpu.memory_space<hbm>> -> memref<640x128xf32, #tpu.memory_space<hbm>>
      tpu.wait_dma2 semaphore(%run_scoped3A : memref<!tpu.dma_semaphore, #tpu.memory_space<semaphore_mem>>) src(%dma_wait3A_16 : memref<640x128xf32, #tpu.memory_space<hbm>>) dst(%dma_wait3A_14 : memref<640x128xf32, #tpu.memory_space<vmem_shared>>)
      tpu.yield
    }) : () -> ()
    %barrier3A = arith.constant 0 : index
    tpu.barrier barrier_id(%barrier3A)
    %mul3A_1 = arith.constant 320000 : i32
    %mul3A_2 = arith.muli %arg0, %mul3A_1 : i32
    %mul3A_3 = arith.constant 20000 : i32
    %mul3A_4 = arith.muli %arg1, %mul3A_3 : i32
    %add3A = arith.addi %mul3A_2, %mul3A_4 : i32
    %scan3A = arith.constant 0 : i32
    %scan3A_5 = arith.constant 0 : i32
    %scan3A_6 = arith.constant 250 : i32
    %scan3A_7 = arith.addi %scan3A_5, %scan3A_6 : i32
    %scan3A_8 = arith.constant 1 : i32
    scf.for %scan3A_11 = %scan3A_5 to %scan3A_7 step %scan3A_8  : i32 {
      %mul3A_12 = arith.constant 80 : i32
      %mul3A_13 = arith.muli %scan3A_11, %mul3A_12 : i32
      %add3A_14 = arith.addi %add3A, %mul3A_13 : i32
      "tpu.region"() ({
        %run_scoped3A = tpu.sem_alloc : memref<!tpu.dma_semaphore, #tpu.memory_space<semaphore_mem>>
        %dma_start3A = tpu.memref_slice %arg3[%add3A_14] : memref<640000xi32, #tpu.memory_space<hbm>> -> memref<80xi32, #tpu.memory_space<hbm>>
        %dma_start3A_15 = tpu.memref_slice %arg3[%add3A_14] : memref<640000xi32, #tpu.memory_space<hbm>> -> memref<80xi32, #tpu.memory_space<hbm>>
        tpu.enqueue_dma source(%dma_start3A_15 : memref<80xi32, #tpu.memory_space<hbm>>) target(%arg8 : memref<80xi32, #tpu.memory_space<vmem>>) target_semaphore(%run_scoped3A : memref<!tpu.dma_semaphore, #tpu.memory_space<semaphore_mem>>)
        %dma_wait3A = tpu.memref_slice %arg3[%add3A_14] : memref<640000xi32, #tpu.memory_space<hbm>> -> memref<80xi32, #tpu.memory_space<hbm>>
        %dma_wait3A_16 = tpu.memref_slice %arg3[%add3A_14] : memref<640000xi32, #tpu.memory_space<hbm>> -> memref<80xi32, #tpu.memory_space<hbm>>
        tpu.wait_dma2 semaphore(%run_scoped3A : memref<!tpu.dma_semaphore, #tpu.memory_space<semaphore_mem>>) src(%dma_wait3A_16 : memref<80xi32, #tpu.memory_space<hbm>>) dst(%arg8 : memref<80xi32, #tpu.memory_space<vmem>>)
        tpu.yield
      }) : () -> ()
      "tpu.region"() ({
        %run_scoped3A = tpu.sem_alloc : memref<!tpu.dma_semaphore, #tpu.memory_space<semaphore_mem>>
        %dma_start3A = tpu.memref_slice %arg4[%add3A_14] : memref<640000xi32, #tpu.memory_space<hbm>> -> memref<80xi32, #tpu.memory_space<hbm>>
        %dma_start3A_15 = tpu.memref_slice %arg4[%add3A_14] : memref<640000xi32, #tpu.memory_space<hbm>> -> memref<80xi32, #tpu.memory_space<hbm>>
        tpu.enqueue_dma source(%dma_start3A_15 : memref<80xi32, #tpu.memory_space<hbm>>) target(%arg9 : memref<80xi32, #tpu.memory_space<vmem>>) target_semaphore(%run_scoped3A : memref<!tpu.dma_semaphore, #tpu.memory_space<semaphore_mem>>)
        %dma_wait3A = tpu.memref_slice %arg4[%add3A_14] : memref<640000xi32, #tpu.memory_space<hbm>> -> memref<80xi32, #tpu.memory_space<hbm>>
        %dma_wait3A_16 = tpu.memref_slice %arg4[%add3A_14] : memref<640000xi32, #tpu.memory_space<hbm>> -> memref<80xi32, #tpu.memory_space<hbm>>
        tpu.wait_dma2 semaphore(%run_scoped3A : memref<!tpu.dma_semaphore, #tpu.memory_space<semaphore_mem>>) src(%dma_wait3A_16 : memref<80xi32, #tpu.memory_space<hbm>>) dst(%arg9 : memref<80xi32, #tpu.memory_space<vmem>>)
        tpu.yield
      }) : () -> ()
      "tpu.region"() ({
        %run_scoped3A = tpu.sem_alloc : memref<!tpu.dma_semaphore, #tpu.memory_space<semaphore_mem>>
        %dma_start3A = arith.constant 0 : i32
        %dma_start3A_15 = arith.constant 0 : i32
        %dma_start3A_16 = tpu.memref_slice %arg2[%dma_start3A, %dma_start3A_15] : memref<10000x128xf32, #tpu.memory_space<hbm>> -> memref<10000x128xf32, #tpu.memory_space<hbm>>
        tpu.enqueue_indirect_dma source(%dma_start3A_16 : memref<10000x128xf32, #tpu.memory_space<hbm>>) target(%arg10 : memref<80x128xf32, #tpu.memory_space<vmem>>) offsets(%arg8 : memref<80xi32, #tpu.memory_space<vmem>>) semaphore(%run_scoped3A : memref<!tpu.dma_semaphore, #tpu.memory_space<semaphore_mem>>)
        %dma_wait3A = arith.constant 0 : i32
        %dma_wait3A_17 = arith.constant 0 : i32
        %dma_wait3A_18 = tpu.memref_slice %arg2[%dma_wait3A, %dma_wait3A_17] : memref<10000x128xf32, #tpu.memory_space<hbm>> -> memref<10000x128xf32, #tpu.memory_space<hbm>>
        tpu.wait_indirect_dma semaphore(%run_scoped3A : memref<!tpu.dma_semaphore, #tpu.memory_space<semaphore_mem>>) src(%dma_wait3A_18 : memref<10000x128xf32, #tpu.memory_space<hbm>>) dst(%arg10 : memref<80x128xf32, #tpu.memory_space<vmem>>)
        tpu.yield
      }) : () -> ()
      "tpu.region"() ({
        %run_scoped3A = tpu.sem_alloc : memref<!tpu.dma_semaphore, #tpu.memory_space<semaphore_mem>>
        %dma_start3A = arith.constant 0 : i32
        %dma_start3A_15 = arith.constant 0 : i32
        %dma_start3A_16 = tpu.memref_slice %arg7[%dma_start3A, %dma_start3A_15] : memref<10240x128xf32, #tpu.memory_space<vmem_shared>> -> memref<10240x128xf32, #tpu.memory_space<vmem_shared>>
        tpu.enqueue_indirect_dma source(%arg10 : memref<80x128xf32, #tpu.memory_space<vmem>>) target(%dma_start3A_16 : memref<10240x128xf32, #tpu.memory_space<vmem_shared>>) offsets(%arg9 : memref<80xi32, #tpu.memory_space<vmem>>) semaphore(%run_scoped3A : memref<!tpu.dma_semaphore, #tpu.memory_space<semaphore_mem>>) {add = true}
        %dma_wait3A = arith.constant 0 : i32
        %dma_wait3A_17 = arith.constant 0 : i32
        %dma_wait3A_18 = tpu.memref_slice %arg7[%dma_wait3A, %dma_wait3A_17] : memref<10240x128xf32, #tpu.memory_space<vmem_shared>> -> memref<10240x128xf32, #tpu.memory_space<vmem_shared>>
        tpu.wait_indirect_dma semaphore(%run_scoped3A : memref<!tpu.dma_semaphore, #tpu.memory_space<semaphore_mem>>) src(%arg10 : memref<80x128xf32, #tpu.memory_space<vmem>>) dst(%dma_wait3A_18 : memref<10240x128xf32, #tpu.memory_space<vmem_shared>>)
        tpu.yield
      }) : () -> ()
    }
    %scan3A_9 = arith.constant 250 : i32
    %barrier3A_10 = arith.constant 0 : index
    tpu.barrier barrier_id(%barrier3A_10)
    "tpu.region"() ({
      %run_scoped3A = tpu.sem_alloc : memref<!tpu.dma_semaphore, #tpu.memory_space<semaphore_mem>>
      %dma_start3A = arith.constant 0 : i32
      %dma_start3A_11 = tpu.memref_slice %arg6[%arg0, %mul3A_0, %dma_start3A] : memref<2x10240x128xf32, #tpu.memory_space<hbm>> -> memref<1x640x128xf32, #tpu.memory_space<hbm>>
      %dma_start3A_12 = tpu.memref_squeeze %dma_start3A_11 : memref<1x640x128xf32, #tpu.memory_space<hbm>> -> memref<640x128xf32, #tpu.memory_space<hbm>>
      %dma_start3A_13 = arith.constant 0 : i32
      %dma_start3A_14 = tpu.memref_slice %arg7[%mul3A_0, %dma_start3A_13] : memref<10240x128xf32, #tpu.memory_space<vmem_shared>> -> memref<640x128xf32, #tpu.memory_space<vmem_shared>>
      tpu.enqueue_dma source(%dma_start3A_14 : memref<640x128xf32, #tpu.memory_space<vmem_shared>>) target(%dma_start3A_12 : memref<640x128xf32, #tpu.memory_space<hbm>>) target_semaphore(%run_scoped3A : memref<!tpu.dma_semaphore, #tpu.memory_space<semaphore_mem>>)
      %dma_wait3A = arith.constant 0 : i32
      %dma_wait3A_15 = tpu.memref_slice %arg6[%arg0, %mul3A_0, %dma_wait3A] : memref<2x10240x128xf32, #tpu.memory_space<hbm>> -> memref<1x640x128xf32, #tpu.memory_space<hbm>>
      %dma_wait3A_16 = tpu.memref_squeeze %dma_wait3A_15 : memref<1x640x128xf32, #tpu.memory_space<hbm>> -> memref<640x128xf32, #tpu.memory_space<hbm>>
      %dma_wait3A_17 = arith.constant 0 : i32
      %dma_wait3A_18 = tpu.memref_slice %arg7[%mul3A_0, %dma_wait3A_17] : memref<10240x128xf32, #tpu.memory_space<vmem_shared>> -> memref<640x128xf32, #tpu.memory_space<vmem_shared>>
      tpu.wait_dma2 semaphore(%run_scoped3A : memref<!tpu.dma_semaphore, #tpu.memory_space<semaphore_mem>>) src(%dma_wait3A_18 : memref<640x128xf32, #tpu.memory_space<vmem_shared>>) dst(%dma_wait3A_16 : memref<640x128xf32, #tpu.memory_space<hbm>>)
      tpu.yield
    }) : () -> ()
    return
  }
}

module attributes {stable_mosaic.version = 14 : i64} {
  func.func @_support_body(%arg0: i32, %arg1: memref<1000x128xf32, #tpu.memory_space<vmem>>, %arg2: memref<128x128xf32, #tpu.memory_space<vmem>>, %arg3: memref<1x128xf32, #tpu.memory_space<vmem>>, %arg4: memref<128x128xf32, #tpu.memory_space<vmem>>, %arg5: memref<1000x128xf32, #tpu.memory_space<vmem>>) attributes {dimension_semantics = [#tpu.dimension_semantics<arbitrary>], iteration_bounds = array<i64: 10>, scalar_prefetch = 0 : i64, scratch_operands = 0 : i64, tpu.core_type = #tpu.core_type<tc>, window_params = [{transform_indices = @transform_0, window_bounds = array<i64: 1000, 128>}, {pipeline_mode = #tpu.pipeline_mode<synchronous>, transform_indices = @transform_1, window_bounds = array<i64: 128, 128>}, {pipeline_mode = #tpu.pipeline_mode<synchronous>, transform_indices = @transform_2, window_bounds = array<i64: 1, 128>}, {pipeline_mode = #tpu.pipeline_mode<synchronous>, transform_indices = @transform_3, window_bounds = array<i64: 128, 128>}, {transform_indices = @transform_4, window_bounds = array<i64: 1000, 128>}]} {
    %get3A = arith.constant 0 : index
    %get3A_0 = arith.constant 0 : index
    %get3A_1 = vector.load %arg1[%get3A, %get3A_0] : memref<1000x128xf32, #tpu.memory_space<vmem>>, vector<1000x128xf32>
    %get3A_2 = arith.constant 0 : index
    %get3A_3 = arith.constant 0 : index
    %get3A_4 = vector.load %arg2[%get3A_2, %get3A_3] : memref<128x128xf32, #tpu.memory_space<vmem>>, vector<128x128xf32>
    %dot_general3A = arith.constant dense<0.000000e+00> : vector<1000x128xf32>
    %dot_general3A_5 = tpu.matmul %get3A_1, %get3A_4, %dot_general3A {dimension_numbers = #tpu.dot_dimension_numbers<[1], [0], [0], [1], [0, 0, 1, 1], [], []>, transpose_lhs_hint = false} : vector<1000x128xf32>, vector<128x128xf32>, vector<1000x128xf32> -> vector<1000x128xf32>
    %get3A_6 = arith.constant 0 : index
    %get3A_7 = arith.constant 0 : index
    %get3A_8 = vector.load %arg3[%get3A_6, %get3A_7] : memref<1x128xf32, #tpu.memory_space<vmem>>, vector<1x128xf32>
    %add3A = vector.broadcast %get3A_8 : vector<1x128xf32> to vector<1000x128xf32>
    %add3A_9 = arith.addf %dot_general3A_5, %add3A : vector<1000x128xf32>
    %max3A = arith.constant 0.000000e+00 : f32
    %max3A_10 = vector.broadcast %max3A : f32 to vector<1000x128xf32>
    %max3A_11 = arith.maximumf %add3A_9, %max3A_10 : vector<1000x128xf32>
    %get3A_12 = arith.constant 0 : index
    %get3A_13 = arith.constant 0 : index
    %get3A_14 = vector.load %arg4[%get3A_12, %get3A_13] : memref<128x128xf32, #tpu.memory_space<vmem>>, vector<128x128xf32>
    %dot_general3A_15 = arith.constant dense<0.000000e+00> : vector<1000x128xf32>
    %dot_general3A_16 = tpu.matmul %max3A_11, %get3A_14, %dot_general3A_15 {dimension_numbers = #tpu.dot_dimension_numbers<[1], [0], [0], [1], [0, 0, 1, 1], [], []>, transpose_lhs_hint = false} : vector<1000x128xf32>, vector<128x128xf32>, vector<1000x128xf32> -> vector<1000x128xf32>
    %swap3A = arith.constant 0 : index
    %swap3A_17 = arith.constant 0 : index
    %swap3A_18 = vector.load %arg5[%swap3A, %swap3A_17] : memref<1000x128xf32, #tpu.memory_space<vmem>>, vector<1000x128xf32>
    tpu.vector_store %arg5[%swap3A, %swap3A_17], %dot_general3A_16 {strides = array<i32>} : memref<1000x128xf32, #tpu.memory_space<vmem>>, vector<1000x128xf32>,
    return
  }
  func.func @transform_0(%arg0: i32) -> (i32, i32) {
    %c0_i32 = arith.constant 0 : i32
    %c0_i32_0 = arith.constant 0 : i32
    return %arg0, %c0_i32 : i32, i32
  }
  func.func @transform_1(%arg0: i32) -> (i32, i32) {
    %c0_i32 = arith.constant 0 : i32
    %c0_i32_0 = arith.constant 0 : i32
    %c0_i32_1 = arith.constant 0 : i32
    return %c0_i32, %c0_i32_0 : i32, i32
  }
  func.func @transform_2(%arg0: i32) -> (i32, i32) {
    %c0_i32 = arith.constant 0 : i32
    %c0_i32_0 = arith.constant 0 : i32
    %c0_i32_1 = arith.constant 0 : i32
    return %c0_i32, %c0_i32_0 : i32, i32
  }
  func.func @transform_3(%arg0: i32) -> (i32, i32) {
    %c0_i32 = arith.constant 0 : i32
    %c0_i32_0 = arith.constant 0 : i32
    %c0_i32_1 = arith.constant 0 : i32
    return %c0_i32, %c0_i32_0 : i32, i32
  }
  func.func @transform_4(%arg0: i32) -> (i32, i32) {
    %c0_i32 = arith.constant 0 : i32
    %c0_i32_0 = arith.constant 0 : i32
    return %arg0, %c0_i32 : i32, i32
  }
}

module attributes {stable_mosaic.version = 14 : i64} {
  func.func @_q_body(%arg0: i32, %arg1: memref<1000x128xf32, #tpu.memory_space<vmem>>, %arg2: memref<1000x128xf32, #tpu.memory_space<vmem>>, %arg3: memref<1x128xf32, #tpu.memory_space<vmem>>, %arg4: memref<128x1xf32, #tpu.memory_space<vmem>>, %arg5: memref<1x1xf32, #tpu.memory_space<vmem>>, %arg6: memref<1000x1xf32, #tpu.memory_space<vmem>>) attributes {dimension_semantics = [#tpu.dimension_semantics<arbitrary>], iteration_bounds = array<i64: 10>, scalar_prefetch = 0 : i64, scratch_operands = 0 : i64, tpu.core_type = #tpu.core_type<tc>, window_params = [{transform_indices = @transform_0, window_bounds = array<i64: 1000, 128>}, {transform_indices = @transform_1, window_bounds = array<i64: 1000, 128>}, {pipeline_mode = #tpu.pipeline_mode<synchronous>, transform_indices = @transform_2, window_bounds = array<i64: 1, 128>}, {pipeline_mode = #tpu.pipeline_mode<synchronous>, transform_indices = @transform_3, window_bounds = array<i64: 128, 1>}, {pipeline_mode = #tpu.pipeline_mode<synchronous>, transform_indices = @transform_4, window_bounds = array<i64: 1, 1>}, {transform_indices = @transform_5, window_bounds = array<i64: 1000, 1>}]} {
    %get3A = arith.constant 0 : index
    %get3A_0 = arith.constant 0 : index
    %get3A_1 = vector.load %arg1[%get3A, %get3A_0] : memref<1000x128xf32, #tpu.memory_space<vmem>>, vector<1000x128xf32>
    %get3A_2 = arith.constant 0 : index
    %get3A_3 = arith.constant 0 : index
    %get3A_4 = vector.load %arg3[%get3A_2, %get3A_3] : memref<1x128xf32, #tpu.memory_space<vmem>>, vector<1x128xf32>
    %add3A = vector.broadcast %get3A_4 : vector<1x128xf32> to vector<1000x128xf32>
    %add3A_5 = arith.addf %get3A_1, %add3A : vector<1000x128xf32>
    %max3A = arith.constant 0.000000e+00 : f32
    %max3A_6 = vector.broadcast %max3A : f32 to vector<1000x128xf32>
    %max3A_7 = arith.maximumf %add3A_5, %max3A_6 : vector<1000x128xf32>
    %get3A_8 = arith.constant 0 : index
    %get3A_9 = arith.constant 0 : index
    %get3A_10 = vector.load %arg2[%get3A_8, %get3A_9] : memref<1000x128xf32, #tpu.memory_space<vmem>>, vector<1000x128xf32>
    %get3A_11 = arith.constant 0 : index
    %get3A_12 = arith.constant 0 : index
    %get3A_13 = vector.load %arg3[%get3A_11, %get3A_12] : memref<1x128xf32, #tpu.memory_space<vmem>>, vector<1x128xf32>
    %add3A_14 = vector.broadcast %get3A_13 : vector<1x128xf32> to vector<1000x128xf32>
    %add3A_15 = arith.addf %get3A_10, %add3A_14 : vector<1000x128xf32>
    %max3A_16 = arith.constant 0.000000e+00 : f32
    %max3A_17 = vector.broadcast %max3A_16 : f32 to vector<1000x128xf32>
    %max3A_18 = arith.maximumf %add3A_15, %max3A_17 : vector<1000x128xf32>
    %add3A_19 = arith.addf %max3A_7, %max3A_18 : vector<1000x128xf32>
    %mul3A = arith.constant 5.000000e-01 : f32
    %mul3A_20 = vector.broadcast %mul3A : f32 to vector<1000x128xf32>
    %mul3A_21 = arith.mulf %mul3A_20, %add3A_19 : vector<1000x128xf32>
    %get3A_22 = arith.constant 0 : index
    %get3A_23 = arith.constant 0 : index
    %get3A_24 = vector.load %arg4[%get3A_22, %get3A_23] : memref<128x1xf32, #tpu.memory_space<vmem>>, vector<128x1xf32>
    %dot_general3A = arith.constant dense<0.000000e+00> : vector<1000x1xf32>
    %dot_general3A_25 = tpu.matmul %mul3A_21, %get3A_24, %dot_general3A {dimension_numbers = #tpu.dot_dimension_numbers<[1], [0], [0], [1], [0, 0, 1, 1], [], []>, transpose_lhs_hint = false} : vector<1000x128xf32>, vector<128x1xf32>, vector<1000x1xf32> -> vector<1000x1xf32>
    %get3A_26 = arith.constant 0 : index
    %get3A_27 = arith.constant 0 : index
    %get3A_28 = vector.load %arg5[%get3A_26, %get3A_27] : memref<1x1xf32, #tpu.memory_space<vmem>>, vector<1x1xf32>
    %add3A_29 = vector.broadcast %get3A_28 : vector<1x1xf32> to vector<1000x1xf32>
    %add3A_30 = arith.addf %dot_general3A_25, %add3A_29 : vector<1000x1xf32>
    %swap3A = arith.constant 0 : index
    %swap3A_31 = arith.constant 0 : index
    %swap3A_32 = vector.load %arg6[%swap3A, %swap3A_31] : memref<1000x1xf32, #tpu.memory_space<vmem>>, vector<1000x1xf32>
    tpu.vector_store %arg6[%swap3A, %swap3A_31], %add3A_30 {strides = array<i32>} : memref<1000x1xf32, #tpu.memory_space<vmem>>, vector<1000x1xf32>,
    return
  }
  func.func @transform_0(%arg0: i32) -> (i32, i32) {
    %c0_i32 = arith.constant 0 : i32
    %c0_i32_0 = arith.constant 0 : i32
    return %arg0, %c0_i32 : i32, i32
  }
  func.func @transform_1(%arg0: i32) -> (i32, i32) {
    %c0_i32 = arith.constant 0 : i32
    %c0_i32_0 = arith.constant 0 : i32
    return %arg0, %c0_i32 : i32, i32
  }
  func.func @transform_2(%arg0: i32) -> (i32, i32) {
    %c0_i32 = arith.constant 0 : i32
    %c0_i32_0 = arith.constant 0 : i32
    %c0_i32_1 = arith.constant 0 : i32
    return %c0_i32, %c0_i32_0 : i32, i32
  }
  func.func @transform_3(%arg0: i32) -> (i32, i32) {
    %c0_i32 = arith.constant 0 : i32
    %c0_i32_0 = arith.constant 0 : i32
    %c0_i32_1 = arith.constant 0 : i32
    return %c0_i32, %c0_i32_0 : i32, i32
  }
  func.func @transform_4(%arg0: i32) -> (i32, i32) {
    %c0_i32 = arith.constant 0 : i32
    %c0_i32_0 = arith.constant 0 : i32
    %c0_i32_1 = arith.constant 0 : i32
    return %c0_i32, %c0_i32_0 : i32, i32
  }
  func.func @transform_5(%arg0: i32) -> (i32, i32) {
    %c0_i32 = arith.constant 0 : i32
    %c0_i32_0 = arith.constant 0 : i32
    return %arg0, %c0_i32 : i32, i32
  }
}

</mosaic_0001>

<sc_bundles>
// kernel: kernel.5.cloned.1.call-start
scs
__scs_entry_jumppad:
0x0: {  	(pc) =	sbr.rel $0x88, $3  }
0x1: {  	(tag) =	ssettag $0x0;
	lr =	simm.s32 $0x1  }
0x2: {  	[smem:$0x3F98] =	sst lr;
	_ =	strace $0xD0000000  }
0x3: {  	_ = 	snop  }
0x4: {  	_ = 	snop  }
0x5: {  	_ = 	snop  }
0x6: {  	_ = 	snop  }
0x7: {  	_ = 	snop  }
__scs_overlays_trampoline_lowered:
0x8: {  	[smem:$0x3FA7] =	sst s0  }
0x9: {  	[smem:$0x3FA8] =	sst s1  }
0xa: {  	[smem:$0x3FA9] =	sst s2  }
0xb: {  	[smem:$0x3FAA] =	sst s3  }
0xc: {  	[smem:$0x3FAB] =	sst s4  }
0xd: {  	[smem:$0x3FAC] =	sst s5  }
0xe: {  	[smem:$0x3FAD] =	sst s6  }
0xf: {  	[smem:$0x3FAE] =	sst s7  }
0x10: {  	[smem:$0x3FAF] =	sst s8  }
0x11: {  	[smem:$0x3FB0] =	sst s9;
	s0 =	simm.s32 @!p0 $0x0  }
0x12: {  	s1 =	sld [smem:$0x3F96];
	s0 =	simm.s32 @p0 $0x1  }
0x13: {  	[smem:$0x3FB1] =	sst s0;
	s0 =	simm.s32 @!p1 $0x0  }
0x14: {  	s2 =	sld [smem:$0x3F95];
	s0 =	simm.s32 @p1 $0x1  }
0x15: {  	[smem:$0x3FB2] =	sst s0;
	s0 =	simm.s32 @!p2 $0x0  }
0x16: {  	s3 =	sld [smem:$0x3FDB];
	s0 =	simm.s32 @p2 $0x1  }
0x17: {  	s4 =	simm.s32 $0x1BF5;
	[smem:$0x3FB4] =	sst s0  }
0x18: {  	s0 =	sld [smem:$0x3F97];
	_ =	swait.ge [sflag:s4], $0x0  }
0x19: {  	s7 =	sld [smem:$0x3F98]  }
0x1a: {  	s8 =	sadd.s32 $0xFFFFE003, lr  }
0x1b: {  	s9 =	sadd.s32 $0xFFFFFEF7, lr;
	s5 =	simm.s32 $0xFFFFFFFF;
	p2 =	slt.u32 s8, $0xFFFFF086  }
0x1c: {  	p1 =	slt.u32 s9, $0xF7A;
	s5 =	simm.s32 @!p2 $0x0  }
0x1d: {  	s5 =	simm.s32 @p1 $0x1;
	p0 =	seq.s32 s7, s2  }
0x1e: {  	s7 =	smul.u32 @!p0 $0xF7A, s2;
	p2 =	seq.s32 @!p0 s5, $0x0  }
0x1f: {  	s9 =	smul.u32 $0xF7A, s1;
	s8 =	simm.s32 @!p0 $0x1BF5;
	p2 =	por !p2, p0  }
0x20: {  	[sflag:s8] =	ssyncset.s32 @!p0 $0xFFFFF086;
	s6 =	sadd.s32 @!p0 s3, s7;
	s7 =	simm.s32 @!p0 $0x108  }
0x21: {  	s3 =	sadd.s32 s3, s9;
	s6 =	sadd.s32 @!p0 $0x88, s6;
	s7 =	simm.s32 @p2 $0x1082  }
0x22: {  	[simem:s7], [sflag:s8] =	dma.local @!p0 [hbm:s6], $0xF7A  }
0x23: {  	s9 =	sor.u32 $0xD0000000, s2;
	s6 =	simm.s32 $0x108;
	_ =	swait.ge @!p0 [sflag:s8], $0x0  }
0x24: {  	s3 =	sadd.s32 $0x88, s3;
	s6 =	simm.s32 @!p1 $0x1082;
	[sflag:s4] =	ssyncset.s32 $0xFFFFF086  }
0x25: {  	[simem:s6], [sflag:s4] =	dma.local [hbm:s3], $0xF7A  }
0x26: {  	[smem:$0x3F98] =	sst s1;
	(tag) =	ssettag s2;
	_ =	strace s9  }
0x27: {  	s1 =	sld [smem:$0x3FA8]  }
0x28: {  	s2 =	sld [smem:$0x3FA9]  }
0x29: {  	s4 =	sld [smem:$0x3FAB]  }
0x2a: {  	p0 =	seq.s32 s5, $0x0;
	s5 =	sld [smem:$0x3FAC]  }
0x2b: {  	s6 =	sld [smem:$0x3FAD]  }
0x2c: {  	s7 =	sld [smem:$0x3FAE]  }
0x2d: {  	s3 =	simm.s32 $0x108;
	s8 =	sld [smem:$0x3FAF]  }
0x2e: {  	s3 =	simm.s32 @!p0 $0x1082;
	s9 =	sld [smem:$0x3FB0]  }
0x2f: {  	lr =	sadd.s32 s0, s3;
	s0 =	sld [smem:$0x3FA7]  }
0x30: {  	s3 =	sld [smem:$0x3FAA]  }
0x31: {  	[smem:$0x3FB3] =	sst s10  }
0x32: {  	s10 =	sld [smem:$0x3FB1];
	_ =	sdelay $0x3  }
0x33: {  	p0 =	seq.s32 s10, $0x1;
	s10 =	sld [smem:$0x3FB3];
	_ =	sdelay $0x3  }
0x34: {  	[smem:$0x3FB3] =	sst s10  }
0x35: {  	s10 =	sld [smem:$0x3FB2];
	_ =	sdelay $0x3  }
0x36: {  	p1 =	seq.s32 s10, $0x1;
	s10 =	sld [smem:$0x3FB3];
	_ =	sdelay $0x3  }
0x37: {  	[smem:$0x3FB3] =	sst s10  }
0x38: {  	s10 =	sld [smem:$0x3FB4]  }
0x39: {  	_ = 	snop;
	(pc) =	sbr.ind lr, $3  }
0x3a: {  	_ = 	snop  }
0x3b: {  	_ = 	snop  }
0x3c: {  	p2 =	seq.s32 s10, $0x1;
	s10 =	sld [smem:$0x3FB3]  }
0x3d: {  	_ =	shalt  }
0x3e: {  	_ =	shalt  }
0x3f: {  	_ =	shalt  }
0x40: {  	_ =	shalt  }
0x41: {  	_ =	shalt  }
0x42: {  	_ =	shalt  }
0x43: {  	_ =	shalt  }
0x44: {  	_ =	shalt  }
0x45: {  	_ =	shalt  }
0x46: {  	_ =	shalt  }
0x47: {  	_ =	shalt  }
0x48: {  	_ =	shalt  }
0x49: {  	_ =	shalt  }
0x4a: {  	_ =	shalt  }
0x4b: {  	_ =	shalt  }
0x4c: {  	_ =	shalt  }
0x4d: {  	_ =	shalt  }
0x4e: {  	_ =	shalt  }
0x4f: {  	_ =	shalt  }
0x50: {  	_ =	shalt  }
0x51: {  	_ =	shalt  }
0x52: {  	_ =	shalt  }
0x53: {  	_ =	shalt  }
0x54: {  	_ =	shalt  }
0x55: {  	_ =	shalt  }
0x56: {  	_ =	shalt  }
0x57: {  	_ =	shalt  }
0x58: {  	_ =	shalt  }
0x59: {  	_ =	shalt  }
0x5a: {  	_ =	shalt  }
0x5b: {  	_ =	shalt  }
0x5c: {  	_ =	shalt  }
0x5d: {  	_ =	shalt  }
0x5e: {  	_ =	shalt  }
0x5f: {  	_ =	shalt  }
0x60: {  	_ =	shalt  }
0x61: {  	_ =	shalt  }
0x62: {  	_ =	shalt  }
0x63: {  	_ =	shalt  }
0x64: {  	_ =	shalt  }
0x65: {  	_ =	shalt  }
0x66: {  	_ =	shalt  }
0x67: {  	_ =	shalt  }
0x68: {  	_ =	shalt  }
0x69: {  	_ =	shalt  }
0x6a: {  	_ =	shalt  }
0x6b: {  	_ =	shalt  }
0x6c: {  	_ =	shalt  }
0x6d: {  	_ =	shalt  }
0x6e: {  	_ =	shalt  }
0x6f: {  	_ =	shalt  }
0x70: {  	_ =	shalt  }
0x71: {  	_ =	shalt  }
0x72: {  	_ =	shalt  }
0x73: {  	_ =	shalt  }
0x74: {  	_ =	shalt  }
0x75: {  	_ =	shalt  }
0x76: {  	_ =	shalt  }
0x77: {  	_ =	shalt  }
0x78: {  	_ =	shalt  }
0x79: {  	_ =	shalt  }
0x7a: {  	_ =	shalt  }
0x7b: {  	_ =	shalt  }
0x7c: {  	_ =	shalt  }
0x7d: {  	_ =	shalt  }
0x7e: {  	_ =	shalt  }
0x7f: {  	_ =	shalt  }
0x80: {  	_ =	shalt  }
0x81: {  	_ =	shalt  }
0x82: {  	_ =	shalt  }
0x83: {  	_ =	shalt  }
0x84: {  	_ =	shalt  }
0x85: {  	_ =	shalt  }
0x86: {  	_ =	shalt  }
0x87: {  	_ =	shalt  }
.Lfunc_end0:
.L_simem_size_0:
called_computation_lowered:
.L_overlay_start_0:
0x88: {  	s2 =	sld [smem:$0x3FD9]  }
0x89: {  	s3 =	sld [smem:$0x3FFE];
	_ =	sdelay $0x1  }
0x8a: {  	s1 =	srdreg.scid  }
0x8b: {  	s0 =	sand.u32 $0x1, s1  }
0x8c: {  	s16 =	sshll.u32 s0, $0xA;
	s2 =	sadd.s32 s3, s2  }
0x8d: {  	s2 =	sadd.s32 s2, s16  }
0x8e: {  	[smem:$0x3FBF] =	sst s2  }
0x8f: {  	_ = 	snop  }
0x90: {  	(tm) =	ssettm $0x1  }
0x91: {  	s17 =	sld [smem:$0x3FFB];
	_ =	sdelay $0x3  }
0x92: {  	_ =	strace s17  }
0x93: {  	s2 =	sld [smem:$0x3FFC];
	_ =	sdelay $0x3  }
0x94: {  	_ =	strace s2  }
0x95: {  	s2 =	sld [smem:$0x3FFD];
	_ =	sdelay $0x3  }
0x96: {  	_ =	strace s2  }
0x97: {  	_ =	strace $0x8FFFFFFF  }
0x98: {  	s18 =	sld [smem:$0x3FDB];
	_ =	sdelay $0x1  }
0x99: {  	s19 =	simm.s32 $_scs_section_size  }
0x9a: {  	s4 =	simm.s32 $_size__tile_overlayer_lowered;
	s5 =	simm.s32 $_tile_overlayer_lowered  }
0x9b: {  	s22 =	simm.s32 $0x1BFF;
	s21 =	sshll.u32 s5, $0x1;
	s2 =	sadd.s32 s19, s18  }
0x9c: {  	s6 =	simm.s32 $0x0;
	s20 =	sshll.u32 s4, $0x1;
	s4 =	sadd.s32 s21, s2  }
0x9d: {  	[timem:s6], [sflag:s22] =	dma.local [hbm:s4], s20  }
0x9e: {  	_ =	swait.ge [sflag:s22], s20  }
0x9f: {  	s3 =	ssub.s32 $0x0, s20;
	[sflag:s22] =	ssyncset.done $0x0  }
0xa0: {  	[sflag:s22] =	ssyncadd.s32 s3;
	_ =	sdelay $0x1  }
0xa1: {  	s23 =	simm.s32 $0x1B8B  }
0xa2: {  	_ =	swait.ge [sflag:s23], $0x1  }
0xa3: {  	[sflag:s23] =	ssyncset.done $0x0  }
0xa4: {  	s25 =	simm.s32 $0x1B8E;
	s24 =	sld [smem:$0x3FFE];
	[sflag:s23] =	ssyncadd.s32 $0xFFFFFFFF  }
0xa5: {  	s26 =	simm.s32 $execute0_lowered;
	[smem:$0x3FD2] =	sst s25  }
0xa6: {  	s4 =	sshll.u32 s26, $0x1;
	_ =	strace $0x80000046;
	[dreg:$0x1] =	wrdreg $0xFFFFFFFF  }
0xa7: {  	s28 =	simm.s32 $_size_execute0_lowered;
	s2 =	sadd.s32 s2, s4;
	[dreg:$0x0] =	wrdreg $0x0  }
0xa8: {  	s4 =	sshll.u32 s28, $0x1;
	[dreg:$0x2] =	wrdreg s2  }
0xa9: {  	[dreg:$0x3] =	wrdreg s4  }
0xaa: {  	[dreg:$0x4] =	wrdreg $0xC0  }
0xab: {  	_ =	task [dreg:s6], $0x5FFFF  }
0xac: {  	[dreg:$0x1] =	wrdreg $0xFFFFFFFF  }
0xad: {  	[dreg:$0x0] =	wrdreg $0x60  }
0xae: {  	[dreg:$0x2] =	wrdreg s24  }
0xaf: {  	[dreg:$0x3] =	wrdreg $0x0  }
0xb0: {  	[dreg:$0x4] =	wrdreg $0x9  }
0xb1: {  	_ =	task.clear_ibuf [dreg:s6], $0x5FFFF;
	_ =	strace $0x90000046  }
0xb2: {  	s29 =	simm.s32 $0x9;
	_ =	strace $0x80000048  }
0xb3: {  	_ =	swait.ge [sflag:s29], $0x1  }
0xb4: {  	[sflag:s29] =	ssyncadd.s32 $0xFFFFFFFF  }
0xb5: {  	_ =	strace $0x90000048  }
0xb6: {  	_ =	sfence  }
0xb7: {  	s30 =	sld [smem:$0x0];
	_ =	sdelay $0x2  }
0xb8: {  	s31 =	sshll.u32 s1, $0xD;
	s1 =	sshrl.u32 s1, $0x2  }
0xb9: {  	s3 =	sand.u32 $0x4000, s31;
	s1 =	sadd.s32 s1, s30  }
0xba: {  	s0 =	sor.u32 s3, s0;
	s1 =	sshll.u32 s1, $0x11  }
0xbb: {  	s0 =	sor.u32 s1, s0  }
0xbc: {  	s0 =	sadd.s32 $0x8F2B, s0  }
0xbd: {  	[sflag:s0] =	ssyncadd.remote.s32 $0x1  }
0xbe: {  	_ =	sfence.sel $0xFFFF  }
0xbf: {  	[dreg:$0x0] =	wrdreg $0xFFFFFFFF;
	(pc) =	sbr.abs _section_cstart, $3  }
0xc0: {  	[dreg:$0x1] =	wrdreg $0xFFFFFFFF  }
0xc1: {  	_ =	task.clear_ibuf [dreg:s6], $0x2FFFF;
	_ =	strace $0x9FFFFFFF  }
0xc2: {  	(tm) =	ssettm $0x7FFFFFFF  }
0xc3: {  	_ =	shalt  }
tec
execute0_lowered:
.L_overlay_start_1:
0x0: {  	(tag) =	ssettag $0x1  }
0x1: {  	s5 =	rddreg [dreg:$0x0]  }
0x2: {  	s0 =	srdreg.scid;
	s2 =	rddreg [dreg:$0x1]  }
0x3: {  	s1 =	rddreg [dreg:$0x2];
	s3 =	simm.s32 $0x0;
	s6 =	sand.u32 $0x1, s0  }
0x4: {  	s13 =	simm.s32 $0x14000;
	s0 =	stileid.u32;
	s4 =	smul.u32 $0x4E200, s6  }
0x5: {  	s14 =	simm.s32 $0x14080;
	s15 =	simm.s32 $0x50;
	s7 =	smul.u32 $0x4E20, s0  }
0x6: {  	s16 =	simm.s32 $0x14100;
	[smem:$0x7FF] =	sst s3;
	s26 =	smul.u32 $0x14000, s0  }
0x7: {  	s17 =	simm.s32 $0x0;
	_ =	strace $0x80000047;
	s9 =	smul.u32 $0x140000, s6  }
0x8: {  	s6 =	ssub.s32 $0x2, s6;
	s29 =	smul.u32 $0x50000, s0;
	s31 =	sshll.u32 s0, $0x6  }
0x9: {  	s11 =	sshrl.u32 s6, $0x1;
	s4 =	sadd.s32 s7, s4;
	s28 =	sshrl.u32 s26, $0x3  }
0xa: {  	s7 =	sadd.s32 s26, s9;
	s11 =	ssub.s32 s6, s11;
	s30 =	sshrl.u32 s29, $0x2  }
0xb: {  	s6 =	sor.u32 $0x1C01, s31;
	s8 =	sshrl.u32 s4, $0x3;
	s4 =	sadd.s32 $0x28000, s5  }
0xc: {  	s7 =	sshrl.u32 s7, $0x3;
	s10 =	sadd.s32 s8, s5;
	s8 =	sadd.s32 s28, s5  }
0xd: {  	s12 =	sadd.s32 s30, s2;
	s7 =	sadd.s32 s7, s5;
	s5 =	sadd.s32 $0x4F200, s8  }
0xe: {  	s7 =	sadd.s32 $0x77200, s7;
	s8 =	smax.u32 s11, $0x1;
	s9 =	sadd.s32 $0x14600, s10  }
0xf: {  	s10 =	sadd.s32 $0xC00, s10;
	s11 =	sshrl.u32 s12, $0x3;
	s12 =	simm.s32 $0x1  }
.LBB2_1:
0x10: {  	[spmem:s11], [sflag:s6] =	dma.local [hbm:s5], $0x2800  }
0x11: {  	_ =	swait.ge [sflag:s12], $0x2800  }
0x12: {  	[sflag:s12] =	ssyncset.done $0x0  }
0x13: {  	[sflag:s12] =	ssyncadd.s32 $0xFFFFD800  }
0x14: {  	s18 =	sadd.s32 $0x0, s10;
	[bflag:$0x0] =	sbarrier.arrive $0xFFFF  }
0x15: {  	[tilespmem:s13], [sflag:$0x1] =	stream.linear.gather [hbm4b:s18+s3], $0x50, $0x38;
	[tilespmem:$0x16900] =	vst v63  }
0x16: {  	_ =	swait.ge [sflag:s12], $0x50  }
0x17: {  	[sflag:s12] =	ssyncset.done $0x0  }
0x18: {  	s31 =	sadd.s32 $0x0, s9;
	[sflag:s12] =	ssyncadd.s32 $0xFFFFFFB0  }
0x19: {  	[tilespmem:s14], [sflag:$0x1] =	stream.linear.gather [hbm4b:s31+s3], $0x50, $0x38;
	[tilespmem:$0x16900] =	vst v63  }
0x1a: {  	_ =	swait.ge [sflag:s12], $0x50  }
0x1b: {  	[sflag:s12] =	ssyncset.done $0x0  }
0x1c: {  	[sflag:s12] =	ssyncadd.s32 $0xFFFFFFB0  }
0x1d: {  	[tilespmem:s16], [sflag:$0x1] =	stream.indirect.gather [hbm4b:s4+s15], $0x80, s13, s15, $0xb8;
	[tilespmem:$0x16900] =	vst v63  }
0x1e: {  	_ =	swait.ge [sflag:s12], $0x2800  }
0x1f: {  	[sflag:s12] =	ssyncset.done $0x0  }
0x20: {  	[sflag:s12] =	ssyncadd.s32 $0xFFFFD800  }
0x21: {  	[spmem:s2] =	stream.indirect.scatter.add.f32 [tilespmem:s16], [sflag:$0x1], $0x80, s14, s15, $0xb8;
	[tilespmem:$0x16900] =	vst v63  }
0x22: {  	_ =	swait.ge [sflag:s12], $0x2800  }
0x23: {  	s19 =	simm.s32 $0x14;
	s18 =	simm.s32 $0xA;
	[sflag:s12] =	ssyncset.done $0x0  }
.LBB2_2:
0x24: {  	s20 =	sadd.s32 s18, s10  }
0x25: {  	[sflag:s12] =	ssyncadd.s32 $0xFFFFD800;
	s21 =	smov.u32 s19;
	s22 =	sadd.s32 $0xA, s19  }
0x26: {  	[tilespmem:s13], [sflag:$0x1] =	stream.linear.gather [hbm4b:s20+s3], $0x50, $0x38;
	[tilespmem:$0x16900] =	vst v63  }
0x27: {  	p0 =	sne.s32 s19, $0x9BA;
	_ =	swait.ge [sflag:s12], $0x50  }
0x28: {  	[sflag:s12] =	ssyncset.done $0x0  }
0x29: {  	s19 =	sadd.s32 s18, s9;
	s18 =	smov.u32 s21;
	[sflag:s12] =	ssyncadd.s32 $0xFFFFFFB0  }
0x2a: {  	[tilespmem:s14], [sflag:$0x1] =	stream.linear.gather [hbm4b:s19+s3], $0x50, $0x38;
	[tilespmem:$0x16900] =	vst v63  }
0x2b: {  	_ =	swait.ge [sflag:s12], $0x50  }
0x2c: {  	[sflag:s12] =	ssyncset.done $0x0  }
0x2d: {  	[sflag:s12] =	ssyncadd.s32 $0xFFFFFFB0  }
0x2e: {  	[tilespmem:s16], [sflag:$0x1] =	stream.indirect.gather [hbm4b:s4+s15], $0x80, s13, s15, $0xb8;
	[tilespmem:$0x16900] =	vst v63  }
0x2f: {  	_ =	swait.ge [sflag:s12], $0x2800  }
.Ltmp0:
0x30: {  	[sflag:s12] =	ssyncset.done $0x0;
	(pc) =	sbr.rel @p0 .LBB2_2-.Ltmp0, $4  }
0x31: {  	[sflag:s12] =	ssyncadd.s32 $0xFFFFD800  }
0x32: {  	[spmem:s2] =	stream.indirect.scatter.add.f32 [tilespmem:s16], [sflag:$0x1], $0x80, s14, s15, $0xb8;
	[tilespmem:$0x16900] =	vst v63  }
0x33: {  	_ =	swait.ge [sflag:s12], $0x2800  }
0x34: {  	s19 =	smov.u32 s22;
	[sflag:s12] =	ssyncset.done $0x0  }
0x35: {  	s19 =	sadd.s32 s18, s10;
	[sflag:s12] =	ssyncadd.s32 $0xFFFFD800  }
0x36: {  	[tilespmem:s13], [sflag:$0x1] =	stream.linear.gather [hbm4b:s19+s3], $0x50, $0x38;
	[tilespmem:$0x16900] =	vst v63  }
0x37: {  	_ =	swait.ge [sflag:s12], $0x50  }
0x38: {  	[sflag:s12] =	ssyncset.done $0x0  }
0x39: {  	s31 =	sadd.s32 s18, s9;
	[sflag:s12] =	ssyncadd.s32 $0xFFFFFFB0  }
0x3a: {  	[tilespmem:s14], [sflag:$0x1] =	stream.linear.gather [hbm4b:s31+s3], $0x50, $0x38;
	[tilespmem:$0x16900] =	vst v63  }
0x3b: {  	_ =	swait.ge [sflag:s12], $0x50  }
0x3c: {  	[sflag:s12] =	ssyncset.done $0x0  }
0x3d: {  	[sflag:s12] =	ssyncadd.s32 $0xFFFFFFB0  }
0x3e: {  	[tilespmem:s16], [sflag:$0x1] =	stream.indirect.gather [hbm4b:s4+s15], $0x80, s13, s15, $0xb8;
	[tilespmem:$0x16900] =	vst v63  }
0x3f: {  	_ =	swait.ge [sflag:s12], $0x2800  }
0x40: {  	[sflag:s12] =	ssyncset.done $0x0  }
0x41: {  	[sflag:s12] =	ssyncadd.s32 $0xFFFFD800  }
0x42: {  	[spmem:s2] =	stream.indirect.scatter.add.f32 [tilespmem:s16], [sflag:$0x1], $0x80, s14, s15, $0xb8;
	[tilespmem:$0x16900] =	vst v63  }
0x43: {  	_ =	swait.ge [sflag:s12], $0x2800  }
0x44: {  	s17 =	sadd.s32 $0x1, s17;
	[sflag:s12] =	ssyncset.done $0x0  }
0x45: {  	p0 =	sne.s32 s17, s8;
	[sflag:s12] =	ssyncadd.s32 $0xFFFFD800  }
.Ltmp1:
0x46: {  	[bflag:$0x0] =	sbarrier.arrive $0xFFFF;
	(pc) =	sbr.rel @p0 .LBB2_1-.Ltmp1, $4  }
0x47: {  	[hbm:s7], [sflag:s6] =	dma.local [spmem:s11], $0x2800  }
0x48: {  	_ =	swait.ge [sflag:s12], $0x2800  }
0x49: {  	[sflag:s12] =	ssyncset.done $0x0  }
0x4a: {  	[sflag:s12] =	ssyncadd.s32 $0xFFFFD800  }
0x4b: {  	_ =	sfence.sel $0x180000  }
0x4c: {  	[bflag:$0x0] =	sbarrier.arrive $0xFFFF  }
0x4d: {  	p0 =	sne.s32 s0, $0x0;
	_ =	strace $0x90000047  }
0x4e: {  	s0 =	sadd.s32 @!p0 $0x100000, s1;
	[bflag:$0x2] =	sbarrier.arrive $0xFFFF  }
0x4f: {  	[sflag:s0] =	ssyncadd.tile.s32 @!p0 $0x1;
	_ =	shalt  }
.Lfunc_end2:
_tile_overlayer_lowered:
.L_overlay_start_2:
0x50: {  	(tag) =	ssettag $0x2  }
0x51: {  	s0 =	rddreg [dreg:$0x0];
	s2 =	stileid.u32  }
0x52: {  	s1 =	rddreg [dreg:$0x1];
	p0 =	sne.s32 s2, $0x0  }
0x53: {  	s3 =	rddreg [dreg:$0x2];
	[bflag:$0x3] =	sbarrier.arrive $0xFFFF;
	s2 =	simm.s32 @!p0 $0x1C01  }
0x54: {  	[timem:s3], [sflag:s2] =	dma.local @!p0 [hbm:s0], s1  }
0x55: {  	s0 =	simm.s32 @!p0 $0x1  }
0x56: {  	_ =	swait.ge @!p0 [sflag:s0], s1  }
0x57: {  	s1 =	ssub.s32 @!p0 $0x0, s1;
	[sflag:s0] =	ssyncset.done @!p0 $0x0  }
0x58: {  	[sflag:s0] =	ssyncadd.s32 @!p0 s1  }
0x59: {  	[bflag:$0x3] =	sbarrier.arrive $0xFFFF  }
0x5a: {  	_ =	shalt  }

</sc_bundles>
